<compile_context>
chip_gen: v7x
topology: tpu7x:2x2x1
jax: 0.10.2.dev20260603
libtpu: 0.0.44.dev20260713+nightly
codegen_flags: <defaults>
</compile_context>

<pallas_src>
import functools

import jax
import jax.numpy as jnp
from jax import lax
from jax.experimental import pallas as pl
from jax.experimental.pallas import tpu as pltpu
from jax.experimental.pallas import tpu_sc as plsc

B = 16384
N = 1000000
D = 64
LAT = 128
NC = 2
NS = 16
NW = NC * NS
BPW = B // NW
ICH = 128
NCH = BPW // ICH
BC = 20480
GRID = (N + BC - 1) // BC



def _tv_body(uTt_ref, iTt_ref, uA_ref, iA_ref, w_ref, tvu_ref, tvi_ref):
    w = w_ref[...]
    wu = jnp.dot(uA_ref[...], w[:LAT, 0], preferred_element_type=jnp.float32)
    wi = jnp.dot(iA_ref[...], w[LAT:, 0], preferred_element_type=jnp.float32)
    tvu_ref[...] = jnp.dot(wu, uTt_ref[...],
                           preferred_element_type=jnp.float32)
    tvi_ref[...] = jnp.dot(wi, iTt_ref[...],
                           preferred_element_type=jnp.float32)


def _tv(uTt, iTt, user_A, item_A, W_aff):
    return pl.pallas_call(
        _tv_body,
        grid=(GRID,),
        in_specs=[
            pl.BlockSpec((D, BC), lambda i: (0, i)),
            pl.BlockSpec((D, BC), lambda i: (0, i)),
            pl.BlockSpec((D, LAT), lambda i: (0, 0)),
            pl.BlockSpec((D, LAT), lambda i: (0, 0)),
            pl.BlockSpec((2 * LAT, 1), lambda i: (0, 0)),
        ],
        out_specs=[
            pl.BlockSpec((BC,), lambda i: (i,)),
            pl.BlockSpec((BC,), lambda i: (i,)),
        ],
        out_shape=[
            jax.ShapeDtypeStruct((N,), jnp.float32),
            jax.ShapeDtypeStruct((N,), jnp.float32),
        ],
    )(uTt, iTt, user_A, item_A, W_aff)



def _gather_body(uidx_h, iidx_h, tvu_h, tvi_h, b_h, out_h,
                 uidx_v, iidx_v, bu_v, bi_v, b_v, out_v, gsem):
    cid = lax.axis_index("c")
    sid = lax.axis_index("s")
    wid = sid * NC + cid
    base = wid * BPW

    pltpu.sync_copy(uidx_h.at[wid], uidx_v)
    pltpu.sync_copy(iidx_h.at[wid], iidx_v)
    pltpu.sync_copy(b_h, b_v)
    copies = []
    for j in range(NCH):
        copies.append(pltpu.async_copy(
            tvu_h.at[uidx_v.at[j]], bu_v.at[pl.ds(j * ICH, ICH)], gsem))
        copies.append(pltpu.async_copy(
            tvi_h.at[iidx_v.at[j]], bi_v.at[pl.ds(j * ICH, ICH)], gsem))
    for cp in copies:
        cp.wait()

    bias = b_v[...]

    def step(t, _):
        off = pl.multiple_of(t * 16, 16)
        out_v[pl.ds(off, 16)] = bu_v[pl.ds(off, 16)] + bi_v[pl.ds(off, 16)] + bias
        return 0

    lax.fori_loop(0, BPW // 16, step, 0)
    pltpu.sync_copy(out_v, out_h.at[pl.ds(base, BPW)])


@functools.partial(
    pl.kernel,
    out_type=jax.ShapeDtypeStruct((B,), jnp.float32),
    mesh=plsc.VectorSubcoreMesh(core_axis_name="c", subcore_axis_name="s"),
    compiler_params=pltpu.CompilerParams(use_tc_tiling_on_sc=False),
    scratch_types=[
        pltpu.VMEM((NCH, ICH), jnp.int32),
        pltpu.VMEM((NCH, ICH), jnp.int32),
        pltpu.VMEM((BPW,), jnp.float32),
        pltpu.VMEM((BPW,), jnp.float32),
        pltpu.VMEM((16,), jnp.float32),
        pltpu.VMEM((BPW,), jnp.float32),
        pltpu.SemaphoreType.DMA,
    ],
)
def _sc_gather(uidx_h, iidx_h, tvu_h, tvi_h, b_h, out_h, *scratch):
    _gather_body(uidx_h, iidx_h, tvu_h, tvi_h, b_h, out_h, *scratch)


def kernel(user_indices, item_indices, user_T, item_T, user_A, item_A,
           W_aff, b_aff):
    tvu, tvi = _tv(user_T.T, item_T.T, user_A, item_A, W_aff)
    uidx = user_indices.astype(jnp.int32).reshape(NW, NCH, ICH)
    iidx = item_indices.astype(jnp.int32).reshape(NW, NCH, ICH)
    b16 = jnp.broadcast_to(b_aff, (16,))
    out = _sc_gather(uidx, iidx, tvu, tvi, b16)
    return out.reshape(B, 1)

# --- scband reference (transcript-rebuilt; emitter-appended) ---
"""Pipeline reference for scband-ncfmodel-30743375905004 (READ-ONLY COPY).

The authoritative reference and input builder live on the scoring server;
editing this copy changes nothing except your own understanding.
"""

import jax, jax.numpy as jnp
import numpy as np

N_USERS = 1000000
M_ITEMS = 1000000
N_UA = 64
N_IA = 64
LATENT = 128
BATCH = 16384

def _init_weight(key, n, m):
    limit = np.sqrt(6.0 / (n + m))
    return jax.random.uniform(key, (n, m), dtype=jnp.float32, minval=-limit, maxval=limit)

def setup_inputs(seed: int = 0) -> dict:
    key = jax.random.key(seed)
    ks = jax.random.split(key, 8)
    user_indices = jax.random.randint(ks[0], (BATCH,), 0, N_USERS, dtype=jnp.int64 if jax.config.read('jax_enable_x64') else jnp.int32)
    item_indices = jax.random.randint(ks[1], (BATCH,), 0, M_ITEMS, dtype=jnp.int64 if jax.config.read('jax_enable_x64') else jnp.int32)
    user_T = _init_weight(ks[2], N_USERS, N_UA)
    item_T = _init_weight(ks[3], M_ITEMS, N_IA)
    user_A = _init_weight(ks[4], N_UA, LATENT)
    item_A = _init_weight(ks[5], N_IA, LATENT)
    # affine_output: Linear(2*latent_dim, 1)
    lim = np.sqrt(1.0 / (2 * LATENT))
    W_aff = jax.random.uniform(ks[6], (2 * LATENT, 1), dtype=jnp.float32, minval=-lim, maxval=lim)
    b_aff = jax.random.uniform(ks[7], (1,), dtype=jnp.float32, minval=-lim, maxval=lim)
    return {
        'user_indices': user_indices,
        'item_indices': item_indices,
        'user_T': user_T,
        'item_T': item_T,
        'user_A': user_A,
        'item_A': item_A,
        'W_aff': W_aff,
        'b_aff': b_aff,
    }

def reference(user_indices, item_indices, user_T, item_T, user_A, item_A, W_aff, b_aff):
    # sparse path: low-rank embedding = gather rows of T, then matmul with A
    user_embedding = jnp.take(user_T, user_indices, axis=0) @ user_A  # [B, latent]
    item_embedding = jnp.take(item_T, item_indices, axis=0) @ item_A  # [B, latent]
    vector = jnp.concatenate([user_embedding, item_embedding], axis=-1)  # [B, 2*latent]
    # fc_layers is empty (layers = [2*latent] -> zip of [:-1],[1:] yields nothing)
    logits = vector @ W_aff + b_aff  # [B, 1]
    return logits

if __name__ == "__main__":
    import jax
    _d = setup_inputs()
    print(jax.jit(kernel)(*tuple(_d.values())))

</pallas_src>

<mosaic_0001>
#map = affine_map<(d0, d1) -> (0, 0, 0)>
#map1 = affine_map<(d0, d1) -> (0)>
module attributes {stable_mosaic.version = 14 : i64} {
  func.func @_sc_gather(%arg0: i32, %arg1: i32, %arg2: memref<32x4x128xi32, #tpu.memory_space<hbm>>, %arg3: memref<32x4x128xi32, #tpu.memory_space<hbm>>, %arg4: memref<1000000xf32, #tpu.memory_space<hbm>>, %arg5: memref<1000000xf32, #tpu.memory_space<hbm>>, %arg6: memref<16xf32, #tpu.memory_space<hbm>>, %arg7: memref<16384xf32, #tpu.memory_space<hbm>>, %arg8: memref<4x128xi32, #tpu.memory_space<vmem>>, %arg9: memref<4x128xi32, #tpu.memory_space<vmem>>, %arg10: memref<512xf32, #tpu.memory_space<vmem>>, %arg11: memref<512xf32, #tpu.memory_space<vmem>>, %arg12: memref<16xf32, #tpu.memory_space<vmem>>, %arg13: memref<512xf32, #tpu.memory_space<vmem>>, %arg14: memref<!tpu.dma_semaphore, #tpu.memory_space<semaphore_mem>>) attributes {dimension_semantics = [#tpu.dimension_semantics<core_parallel>, #tpu.dimension_semantics<subcore_parallel>], iteration_bounds = array<i64: 2, 16>, scalar_prefetch = 0 : i64, scratch_operands = 7 : i64, tpu.core_type = #tpu.core_type<sc_vector_subcore>, window_params = [{transform_indices = #map}, {transform_indices = #map}, {transform_indices = #map1}, {transform_indices = #map1}, {transform_indices = #map1}, {transform_indices = #map1}]} {
    %mul3A = arith.constant 2 : i32
    %mul3A_0 = arith.muli %arg1, %mul3A : i32
    %add3A = arith.addi %mul3A_0, %arg0 : i32
    %mul3A_1 = arith.constant 512 : i32
    %mul3A_2 = arith.muli %add3A, %mul3A_1 : i32
    "tpu.region"() ({
      %run_scoped3A = tpu.sem_alloc : memref<!tpu.dma_semaphore, #tpu.memory_space<semaphore_mem>>
      %dma_start3A_137 = arith.constant 0 : i32
      %dma_start3A_138 = arith.constant 0 : i32
      %dma_start3A_139 = tpu.memref_slice %arg2[%add3A, %dma_start3A_137, %dma_start3A_138] : memref<32x4x128xi32, #tpu.memory_space<hbm>> -> memref<1x4x128xi32, #tpu.memory_space<hbm>>
      %dma_start3A_140 = tpu.memref_squeeze %dma_start3A_139 : memref<1x4x128xi32, #tpu.memory_space<hbm>> -> memref<4x128xi32, #tpu.memory_space<hbm>>
      %dma_start3A_141 = arith.constant 0 : i32
      %dma_start3A_142 = arith.constant 0 : i32
      %dma_start3A_143 = tpu.memref_slice %arg2[%add3A, %dma_start3A_141, %dma_start3A_142] : memref<32x4x128xi32, #tpu.memory_space<hbm>> -> memref<1x4x128xi32, #tpu.memory_space<hbm>>
      %dma_start3A_144 = tpu.memref_squeeze %dma_start3A_143 : memref<1x4x128xi32, #tpu.memory_space<hbm>> -> memref<4x128xi32, #tpu.memory_space<hbm>>
      tpu.enqueue_dma source(%dma_start3A_144 : memref<4x128xi32, #tpu.memory_space<hbm>>) target(%arg8 : memref<4x128xi32, #tpu.memory_space<vmem>>) target_semaphore(%run_scoped3A : memref<!tpu.dma_semaphore, #tpu.memory_space<semaphore_mem>>)
      %dma_wait3A_145 = arith.constant 0 : i32
      %dma_wait3A_146 = arith.constant 0 : i32
      %dma_wait3A_147 = tpu.memref_slice %arg2[%add3A, %dma_wait3A_145, %dma_wait3A_146] : memref<32x4x128xi32, #tpu.memory_space<hbm>> -> memref<1x4x128xi32, #tpu.memory_space<hbm>>
      %dma_wait3A_148 = tpu.memref_squeeze %dma_wait3A_147 : memref<1x4x128xi32, #tpu.memory_space<hbm>> -> memref<4x128xi32, #tpu.memory_space<hbm>>
      %dma_wait3A_149 = arith.constant 0 : i32
      %dma_wait3A_150 = arith.constant 0 : i32
      %dma_wait3A_151 = tpu.memref_slice %arg2[%add3A, %dma_wait3A_149, %dma_wait3A_150] : memref<32x4x128xi32, #tpu.memory_space<hbm>> -> memref<1x4x128xi32, #tpu.memory_space<hbm>>
      %dma_wait3A_152 = tpu.memref_squeeze %dma_wait3A_151 : memref<1x4x128xi32, #tpu.memory_space<hbm>> -> memref<4x128xi32, #tpu.memory_space<hbm>>
      tpu.wait_dma2 semaphore(%run_scoped3A : memref<!tpu.dma_semaphore, #tpu.memory_space<semaphore_mem>>) src(%dma_wait3A_152 : memref<4x128xi32, #tpu.memory_space<hbm>>) dst(%arg8 : memref<4x128xi32, #tpu.memory_space<vmem>>)
      tpu.yield
    }) : () -> ()
    "tpu.region"() ({
      %run_scoped3A = tpu.sem_alloc : memref<!tpu.dma_semaphore, #tpu.memory_space<semaphore_mem>>
      %dma_start3A_137 = arith.constant 0 : i32
      %dma_start3A_138 = arith.constant 0 : i32
      %dma_start3A_139 = tpu.memref_slice %arg3[%add3A, %dma_start3A_137, %dma_start3A_138] : memref<32x4x128xi32, #tpu.memory_space<hbm>> -> memref<1x4x128xi32, #tpu.memory_space<hbm>>
      %dma_start3A_140 = tpu.memref_squeeze %dma_start3A_139 : memref<1x4x128xi32, #tpu.memory_space<hbm>> -> memref<4x128xi32, #tpu.memory_space<hbm>>
      %dma_start3A_141 = arith.constant 0 : i32
      %dma_start3A_142 = arith.constant 0 : i32
      %dma_start3A_143 = tpu.memref_slice %arg3[%add3A, %dma_start3A_141, %dma_start3A_142] : memref<32x4x128xi32, #tpu.memory_space<hbm>> -> memref<1x4x128xi32, #tpu.memory_space<hbm>>
      %dma_start3A_144 = tpu.memref_squeeze %dma_start3A_143 : memref<1x4x128xi32, #tpu.memory_space<hbm>> -> memref<4x128xi32, #tpu.memory_space<hbm>>
      tpu.enqueue_dma source(%dma_start3A_144 : memref<4x128xi32, #tpu.memory_space<hbm>>) target(%arg9 : memref<4x128xi32, #tpu.memory_space<vmem>>) target_semaphore(%run_scoped3A : memref<!tpu.dma_semaphore, #tpu.memory_space<semaphore_mem>>)
      %dma_wait3A_145 = arith.constant 0 : i32
      %dma_wait3A_146 = arith.constant 0 : i32
      %dma_wait3A_147 = tpu.memref_slice %arg3[%add3A, %dma_wait3A_145, %dma_wait3A_146] : memref<32x4x128xi32, #tpu.memory_space<hbm>> -> memref<1x4x128xi32, #tpu.memory_space<hbm>>
      %dma_wait3A_148 = tpu.memref_squeeze %dma_wait3A_147 : memref<1x4x128xi32, #tpu.memory_space<hbm>> -> memref<4x128xi32, #tpu.memory_space<hbm>>
      %dma_wait3A_149 = arith.constant 0 : i32
      %dma_wait3A_150 = arith.constant 0 : i32
      %dma_wait3A_151 = tpu.memref_slice %arg3[%add3A, %dma_wait3A_149, %dma_wait3A_150] : memref<32x4x128xi32, #tpu.memory_space<hbm>> -> memref<1x4x128xi32, #tpu.memory_space<hbm>>
      %dma_wait3A_152 = tpu.memref_squeeze %dma_wait3A_151 : memref<1x4x128xi32, #tpu.memory_space<hbm>> -> memref<4x128xi32, #tpu.memory_space<hbm>>
      tpu.wait_dma2 semaphore(%run_scoped3A : memref<!tpu.dma_semaphore, #tpu.memory_space<semaphore_mem>>) src(%dma_wait3A_152 : memref<4x128xi32, #tpu.memory_space<hbm>>) dst(%arg9 : memref<4x128xi32, #tpu.memory_space<vmem>>)
      tpu.yield
    }) : () -> ()
    "tpu.region"() ({
      %run_scoped3A = tpu.sem_alloc : memref<!tpu.dma_semaphore, #tpu.memory_space<semaphore_mem>>
      tpu.enqueue_dma source(%arg6 : memref<16xf32, #tpu.memory_space<hbm>>) target(%arg12 : memref<16xf32, #tpu.memory_space<vmem>>) target_semaphore(%run_scoped3A : memref<!tpu.dma_semaphore, #tpu.memory_space<semaphore_mem>>)
      tpu.wait_dma2 semaphore(%run_scoped3A : memref<!tpu.dma_semaphore, #tpu.memory_space<semaphore_mem>>) src(%arg6 : memref<16xf32, #tpu.memory_space<hbm>>) dst(%arg12 : memref<16xf32, #tpu.memory_space<vmem>>)
      tpu.yield
    }) : () -> ()
    %dma_start3A = arith.constant 0 : i32
    %dma_start3A_3 = arith.constant 0 : i32
    %dma_start3A_4 = tpu.memref_slice %arg10[%dma_start3A_3] : memref<512xf32, #tpu.memory_space<vmem>> -> memref<128xf32, #tpu.memory_space<vmem>>
    %dma_start3A_5 = arith.constant 0 : i32
    %dma_start3A_6 = tpu.memref_slice %arg8[%dma_start3A, %dma_start3A_5] : memref<4x128xi32, #tpu.memory_space<vmem>> -> memref<1x128xi32, #tpu.memory_space<vmem>>
    %dma_start3A_7 = tpu.memref_squeeze %dma_start3A_6 : memref<1x128xi32, #tpu.memory_space<vmem>> -> memref<128xi32, #tpu.memory_space<vmem>>
    %dma_start3A_8 = arith.constant 0 : i32
    %dma_start3A_9 = tpu.memref_slice %arg4[%dma_start3A_8] : memref<1000000xf32, #tpu.memory_space<hbm>> -> memref<1000000xf32, #tpu.memory_space<hbm>>
    tpu.enqueue_indirect_dma source(%dma_start3A_9 : memref<1000000xf32, #tpu.memory_space<hbm>>) target(%dma_start3A_4 : memref<128xf32, #tpu.memory_space<vmem>>) offsets(%dma_start3A_7 : memref<128xi32, #tpu.memory_space<vmem>>) semaphore(%arg14 : memref<!tpu.dma_semaphore, #tpu.memory_space<semaphore_mem>>)
    %dma_start3A_10 = arith.constant 0 : i32
    %dma_start3A_11 = arith.constant 0 : i32
    %dma_start3A_12 = tpu.memref_slice %arg11[%dma_start3A_11] : memref<512xf32, #tpu.memory_space<vmem>> -> memref<128xf32, #tpu.memory_space<vmem>>
    %dma_start3A_13 = arith.constant 0 : i32
    %dma_start3A_14 = tpu.memref_slice %arg9[%dma_start3A_10, %dma_start3A_13] : memref<4x128xi32, #tpu.memory_space<vmem>> -> memref<1x128xi32, #tpu.memory_space<vmem>>
    %dma_start3A_15 = tpu.memref_squeeze %dma_start3A_14 : memref<1x128xi32, #tpu.memory_space<vmem>> -> memref<128xi32, #tpu.memory_space<vmem>>
    %dma_start3A_16 = arith.constant 0 : i32
    %dma_start3A_17 = tpu.memref_slice %arg5[%dma_start3A_16] : memref<1000000xf32, #tpu.memory_space<hbm>> -> memref<1000000xf32, #tpu.memory_space<hbm>>
    tpu.enqueue_indirect_dma source(%dma_start3A_17 : memref<1000000xf32, #tpu.memory_space<hbm>>) target(%dma_start3A_12 : memref<128xf32, #tpu.memory_space<vmem>>) offsets(%dma_start3A_15 : memref<128xi32, #tpu.memory_space<vmem>>) semaphore(%arg14 : memref<!tpu.dma_semaphore, #tpu.memory_space<semaphore_mem>>)
    %dma_start3A_18 = arith.constant 1 : i32
    %dma_start3A_19 = arith.constant 128 : i32
    %dma_start3A_20 = tpu.memref_slice %arg10[%dma_start3A_19] : memref<512xf32, #tpu.memory_space<vmem>> -> memref<128xf32, #tpu.memory_space<vmem>>
    %dma_start3A_21 = arith.constant 0 : i32
    %dma_start3A_22 = tpu.memref_slice %arg8[%dma_start3A_18, %dma_start3A_21] : memref<4x128xi32, #tpu.memory_space<vmem>> -> memref<1x128xi32, #tpu.memory_space<vmem>>
    %dma_start3A_23 = tpu.memref_squeeze %dma_start3A_22 : memref<1x128xi32, #tpu.memory_space<vmem>> -> memref<128xi32, #tpu.memory_space<vmem>>
    %dma_start3A_24 = arith.constant 0 : i32
    %dma_start3A_25 = tpu.memref_slice %arg4[%dma_start3A_24] : memref<1000000xf32, #tpu.memory_space<hbm>> -> memref<1000000xf32, #tpu.memory_space<hbm>>
    tpu.enqueue_indirect_dma source(%dma_start3A_25 : memref<1000000xf32, #tpu.memory_space<hbm>>) target(%dma_start3A_20 : memref<128xf32, #tpu.memory_space<vmem>>) offsets(%dma_start3A_23 : memref<128xi32, #tpu.memory_space<vmem>>) semaphore(%arg14 : memref<!tpu.dma_semaphore, #tpu.memory_space<semaphore_mem>>)
    %dma_start3A_26 = arith.constant 1 : i32
    %dma_start3A_27 = arith.constant 128 : i32
    %dma_start3A_28 = tpu.memref_slice %arg11[%dma_start3A_27] : memref<512xf32, #tpu.memory_space<vmem>> -> memref<128xf32, #tpu.memory_space<vmem>>
    %dma_start3A_29 = arith.constant 0 : i32
    %dma_start3A_30 = tpu.memref_slice %arg9[%dma_start3A_26, %dma_start3A_29] : memref<4x128xi32, #tpu.memory_space<vmem>> -> memref<1x128xi32, #tpu.memory_space<vmem>>
    %dma_start3A_31 = tpu.memref_squeeze %dma_start3A_30 : memref<1x128xi32, #tpu.memory_space<vmem>> -> memref<128xi32, #tpu.memory_space<vmem>>
    %dma_start3A_32 = arith.constant 0 : i32
    %dma_start3A_33 = tpu.memref_slice %arg5[%dma_start3A_32] : memref<1000000xf32, #tpu.memory_space<hbm>> -> memref<1000000xf32, #tpu.memory_space<hbm>>
    tpu.enqueue_indirect_dma source(%dma_start3A_33 : memref<1000000xf32, #tpu.memory_space<hbm>>) target(%dma_start3A_28 : memref<128xf32, #tpu.memory_space<vmem>>) offsets(%dma_start3A_31 : memref<128xi32, #tpu.memory_space<vmem>>) semaphore(%arg14 : memref<!tpu.dma_semaphore, #tpu.memory_space<semaphore_mem>>)
    %dma_start3A_34 = arith.constant 2 : i32
    %dma_start3A_35 = arith.constant 256 : i32
    %dma_start3A_36 = tpu.memref_slice %arg10[%dma_start3A_35] : memref<512xf32, #tpu.memory_space<vmem>> -> memref<128xf32, #tpu.memory_space<vmem>>
    %dma_start3A_37 = arith.constant 0 : i32
    %dma_start3A_38 = tpu.memref_slice %arg8[%dma_start3A_34, %dma_start3A_37] : memref<4x128xi32, #tpu.memory_space<vmem>> -> memref<1x128xi32, #tpu.memory_space<vmem>>
    %dma_start3A_39 = tpu.memref_squeeze %dma_start3A_38 : memref<1x128xi32, #tpu.memory_space<vmem>> -> memref<128xi32, #tpu.memory_space<vmem>>
    %dma_start3A_40 = arith.constant 0 : i32
    %dma_start3A_41 = tpu.memref_slice %arg4[%dma_start3A_40] : memref<1000000xf32, #tpu.memory_space<hbm>> -> memref<1000000xf32, #tpu.memory_space<hbm>>
    tpu.enqueue_indirect_dma source(%dma_start3A_41 : memref<1000000xf32, #tpu.memory_space<hbm>>) target(%dma_start3A_36 : memref<128xf32, #tpu.memory_space<vmem>>) offsets(%dma_start3A_39 : memref<128xi32, #tpu.memory_space<vmem>>) semaphore(%arg14 : memref<!tpu.dma_semaphore, #tpu.memory_space<semaphore_mem>>)
    %dma_start3A_42 = arith.constant 2 : i32
    %dma_start3A_43 = arith.constant 256 : i32
    %dma_start3A_44 = tpu.memref_slice %arg11[%dma_start3A_43] : memref<512xf32, #tpu.memory_space<vmem>> -> memref<128xf32, #tpu.memory_space<vmem>>
    %dma_start3A_45 = arith.constant 0 : i32
    %dma_start3A_46 = tpu.memref_slice %arg9[%dma_start3A_42, %dma_start3A_45] : memref<4x128xi32, #tpu.memory_space<vmem>> -> memref<1x128xi32, #tpu.memory_space<vmem>>
    %dma_start3A_47 = tpu.memref_squeeze %dma_start3A_46 : memref<1x128xi32, #tpu.memory_space<vmem>> -> memref<128xi32, #tpu.memory_space<vmem>>
    %dma_start3A_48 = arith.constant 0 : i32
    %dma_start3A_49 = tpu.memref_slice %arg5[%dma_start3A_48] : memref<1000000xf32, #tpu.memory_space<hbm>> -> memref<1000000xf32, #tpu.memory_space<hbm>>
    tpu.enqueue_indirect_dma source(%dma_start3A_49 : memref<1000000xf32, #tpu.memory_space<hbm>>) target(%dma_start3A_44 : memref<128xf32, #tpu.memory_space<vmem>>) offsets(%dma_start3A_47 : memref<128xi32, #tpu.memory_space<vmem>>) semaphore(%arg14 : memref<!tpu.dma_semaphore, #tpu.memory_space<semaphore_mem>>)
    %dma_start3A_50 = arith.constant 3 : i32
    %dma_start3A_51 = arith.constant 384 : i32
    %dma_start3A_52 = tpu.memref_slice %arg10[%dma_start3A_51] : memref<512xf32, #tpu.memory_space<vmem>> -> memref<128xf32, #tpu.memory_space<vmem>>
    %dma_start3A_53 = arith.constant 0 : i32
    %dma_start3A_54 = tpu.memref_slice %arg8[%dma_start3A_50, %dma_start3A_53] : memref<4x128xi32, #tpu.memory_space<vmem>> -> memref<1x128xi32, #tpu.memory_space<vmem>>
    %dma_start3A_55 = tpu.memref_squeeze %dma_start3A_54 : memref<1x128xi32, #tpu.memory_space<vmem>> -> memref<128xi32, #tpu.memory_space<vmem>>
    %dma_start3A_56 = arith.constant 0 : i32
    %dma_start3A_57 = tpu.memref_slice %arg4[%dma_start3A_56] : memref<1000000xf32, #tpu.memory_space<hbm>> -> memref<1000000xf32, #tpu.memory_space<hbm>>
    tpu.enqueue_indirect_dma source(%dma_start3A_57 : memref<1000000xf32, #tpu.memory_space<hbm>>) target(%dma_start3A_52 : memref<128xf32, #tpu.memory_space<vmem>>) offsets(%dma_start3A_55 : memref<128xi32, #tpu.memory_space<vmem>>) semaphore(%arg14 : memref<!tpu.dma_semaphore, #tpu.memory_space<semaphore_mem>>)
    %dma_start3A_58 = arith.constant 3 : i32
    %dma_start3A_59 = arith.constant 384 : i32
    %dma_start3A_60 = tpu.memref_slice %arg11[%dma_start3A_59] : memref<512xf32, #tpu.memory_space<vmem>> -> memref<128xf32, #tpu.memory_space<vmem>>
    %dma_start3A_61 = arith.constant 0 : i32
    %dma_start3A_62 = tpu.memref_slice %arg9[%dma_start3A_58, %dma_start3A_61] : memref<4x128xi32, #tpu.memory_space<vmem>> -> memref<1x128xi32, #tpu.memory_space<vmem>>
    %dma_start3A_63 = tpu.memref_squeeze %dma_start3A_62 : memref<1x128xi32, #tpu.memory_space<vmem>> -> memref<128xi32, #tpu.memory_space<vmem>>
    %dma_start3A_64 = arith.constant 0 : i32
    %dma_start3A_65 = tpu.memref_slice %arg5[%dma_start3A_64] : memref<1000000xf32, #tpu.memory_space<hbm>> -> memref<1000000xf32, #tpu.memory_space<hbm>>
    tpu.enqueue_indirect_dma source(%dma_start3A_65 : memref<1000000xf32, #tpu.memory_space<hbm>>) target(%dma_start3A_60 : memref<128xf32, #tpu.memory_space<vmem>>) offsets(%dma_start3A_63 : memref<128xi32, #tpu.memory_space<vmem>>) semaphore(%arg14 : memref<!tpu.dma_semaphore, #tpu.memory_space<semaphore_mem>>)
    %dma_wait3A = arith.constant 0 : i32
    %dma_wait3A_66 = arith.constant 0 : i32
    %dma_wait3A_67 = tpu.memref_slice %arg10[%dma_wait3A_66] : memref<512xf32, #tpu.memory_space<vmem>> -> memref<128xf32, #tpu.memory_space<vmem>>
    %dma_wait3A_68 = arith.constant 0 : i32
    %dma_wait3A_69 = tpu.memref_slice %arg8[%dma_wait3A, %dma_wait3A_68] : memref<4x128xi32, #tpu.memory_space<vmem>> -> memref<1x128xi32, #tpu.memory_space<vmem>>
    %dma_wait3A_70 = tpu.memref_squeeze %dma_wait3A_69 : memref<1x128xi32, #tpu.memory_space<vmem>> -> memref<128xi32, #tpu.memory_space<vmem>>
    %dma_wait3A_71 = arith.constant 0 : i32
    %dma_wait3A_72 = tpu.memref_slice %arg4[%dma_wait3A_71] : memref<1000000xf32, #tpu.memory_space<hbm>> -> memref<1000000xf32, #tpu.memory_space<hbm>>
    tpu.wait_indirect_dma semaphore(%arg14 : memref<!tpu.dma_semaphore, #tpu.memory_space<semaphore_mem>>) src(%dma_wait3A_72 : memref<1000000xf32, #tpu.memory_space<hbm>>) dst(%dma_wait3A_67 : memref<128xf32, #tpu.memory_space<vmem>>)
    %dma_wait3A_73 = arith.constant 0 : i32
    %dma_wait3A_74 = arith.constant 0 : i32
    %dma_wait3A_75 = tpu.memref_slice %arg11[%dma_wait3A_74] : memref<512xf32, #tpu.memory_space<vmem>> -> memref<128xf32, #tpu.memory_space<vmem>>
    %dma_wait3A_76 = arith.constant 0 : i32
    %dma_wait3A_77 = tpu.memref_slice %arg9[%dma_wait3A_73, %dma_wait3A_76] : memref<4x128xi32, #tpu.memory_space<vmem>> -> memref<1x128xi32, #tpu.memory_space<vmem>>
    %dma_wait3A_78 = tpu.memref_squeeze %dma_wait3A_77 : memref<1x128xi32, #tpu.memory_space<vmem>> -> memref<128xi32, #tpu.memory_space<vmem>>
    %dma_wait3A_79 = arith.constant 0 : i32
    %dma_wait3A_80 = tpu.memref_slice %arg5[%dma_wait3A_79] : memref<1000000xf32, #tpu.memory_space<hbm>> -> memref<1000000xf32, #tpu.memory_space<hbm>>
    tpu.wait_indirect_dma semaphore(%arg14 : memref<!tpu.dma_semaphore, #tpu.memory_space<semaphore_mem>>) src(%dma_wait3A_80 : memref<1000000xf32, #tpu.memory_space<hbm>>) dst(%dma_wait3A_75 : memref<128xf32, #tpu.memory_space<vmem>>)
    %dma_wait3A_81 = arith.constant 1 : i32
    %dma_wait3A_82 = arith.constant 128 : i32
    %dma_wait3A_83 = tpu.memref_slice %arg10[%dma_wait3A_82] : memref<512xf32, #tpu.memory_space<vmem>> -> memref<128xf32, #tpu.memory_space<vmem>>
    %dma_wait3A_84 = arith.constant 0 : i32
    %dma_wait3A_85 = tpu.memref_slice %arg8[%dma_wait3A_81, %dma_wait3A_84] : memref<4x128xi32, #tpu.memory_space<vmem>> -> memref<1x128xi32, #tpu.memory_space<vmem>>
    %dma_wait3A_86 = tpu.memref_squeeze %dma_wait3A_85 : memref<1x128xi32, #tpu.memory_space<vmem>> -> memref<128xi32, #tpu.memory_space<vmem>>
    %dma_wait3A_87 = arith.constant 0 : i32
    %dma_wait3A_88 = tpu.memref_slice %arg4[%dma_wait3A_87] : memref<1000000xf32, #tpu.memory_space<hbm>> -> memref<1000000xf32, #tpu.memory_space<hbm>>
    tpu.wait_indirect_dma semaphore(%arg14 : memref<!tpu.dma_semaphore, #tpu.memory_space<semaphore_mem>>) src(%dma_wait3A_88 : memref<1000000xf32, #tpu.memory_space<hbm>>) dst(%dma_wait3A_83 : memref<128xf32, #tpu.memory_space<vmem>>)
    %dma_wait3A_89 = arith.constant 1 : i32
    %dma_wait3A_90 = arith.constant 128 : i32
    %dma_wait3A_91 = tpu.memref_slice %arg11[%dma_wait3A_90] : memref<512xf32, #tpu.memory_space<vmem>> -> memref<128xf32, #tpu.memory_space<vmem>>
    %dma_wait3A_92 = arith.constant 0 : i32
    %dma_wait3A_93 = tpu.memref_slice %arg9[%dma_wait3A_89, %dma_wait3A_92] : memref<4x128xi32, #tpu.memory_space<vmem>> -> memref<1x128xi32, #tpu.memory_space<vmem>>
    %dma_wait3A_94 = tpu.memref_squeeze %dma_wait3A_93 : memref<1x128xi32, #tpu.memory_space<vmem>> -> memref<128xi32, #tpu.memory_space<vmem>>
    %dma_wait3A_95 = arith.constant 0 : i32
    %dma_wait3A_96 = tpu.memref_slice %arg5[%dma_wait3A_95] : memref<1000000xf32, #tpu.memory_space<hbm>> -> memref<1000000xf32, #tpu.memory_space<hbm>>
    tpu.wait_indirect_dma semaphore(%arg14 : memref<!tpu.dma_semaphore, #tpu.memory_space<semaphore_mem>>) src(%dma_wait3A_96 : memref<1000000xf32, #tpu.memory_space<hbm>>) dst(%dma_wait3A_91 : memref<128xf32, #tpu.memory_space<vmem>>)
    %dma_wait3A_97 = arith.constant 2 : i32
    %dma_wait3A_98 = arith.constant 256 : i32
    %dma_wait3A_99 = tpu.memref_slice %arg10[%dma_wait3A_98] : memref<512xf32, #tpu.memory_space<vmem>> -> memref<128xf32, #tpu.memory_space<vmem>>
    %dma_wait3A_100 = arith.constant 0 : i32
    %dma_wait3A_101 = tpu.memref_slice %arg8[%dma_wait3A_97, %dma_wait3A_100] : memref<4x128xi32, #tpu.memory_space<vmem>> -> memref<1x128xi32, #tpu.memory_space<vmem>>
    %dma_wait3A_102 = tpu.memref_squeeze %dma_wait3A_101 : memref<1x128xi32, #tpu.memory_space<vmem>> -> memref<128xi32, #tpu.memory_space<vmem>>
    %dma_wait3A_103 = arith.constant 0 : i32
    %dma_wait3A_104 = tpu.memref_slice %arg4[%dma_wait3A_103] : memref<1000000xf32, #tpu.memory_space<hbm>> -> memref<1000000xf32, #tpu.memory_space<hbm>>
    tpu.wait_indirect_dma semaphore(%arg14 : memref<!tpu.dma_semaphore, #tpu.memory_space<semaphore_mem>>) src(%dma_wait3A_104 : memref<1000000xf32, #tpu.memory_space<hbm>>) dst(%dma_wait3A_99 : memref<128xf32, #tpu.memory_space<vmem>>)
    %dma_wait3A_105 = arith.constant 2 : i32
    %dma_wait3A_106 = arith.constant 256 : i32
    %dma_wait3A_107 = tpu.memref_slice %arg11[%dma_wait3A_106] : memref<512xf32, #tpu.memory_space<vmem>> -> memref<128xf32, #tpu.memory_space<vmem>>
    %dma_wait3A_108 = arith.constant 0 : i32
    %dma_wait3A_109 = tpu.memref_slice %arg9[%dma_wait3A_105, %dma_wait3A_108] : memref<4x128xi32, #tpu.memory_space<vmem>> -> memref<1x128xi32, #tpu.memory_space<vmem>>
    %dma_wait3A_110 = tpu.memref_squeeze %dma_wait3A_109 : memref<1x128xi32, #tpu.memory_space<vmem>> -> memref<128xi32, #tpu.memory_space<vmem>>
    %dma_wait3A_111 = arith.constant 0 : i32
    %dma_wait3A_112 = tpu.memref_slice %arg5[%dma_wait3A_111] : memref<1000000xf32, #tpu.memory_space<hbm>> -> memref<1000000xf32, #tpu.memory_space<hbm>>
    tpu.wait_indirect_dma semaphore(%arg14 : memref<!tpu.dma_semaphore, #tpu.memory_space<semaphore_mem>>) src(%dma_wait3A_112 : memref<1000000xf32, #tpu.memory_space<hbm>>) dst(%dma_wait3A_107 : memref<128xf32, #tpu.memory_space<vmem>>)
    %dma_wait3A_113 = arith.constant 3 : i32
    %dma_wait3A_114 = arith.constant 384 : i32
    %dma_wait3A_115 = tpu.memref_slice %arg10[%dma_wait3A_114] : memref<512xf32, #tpu.memory_space<vmem>> -> memref<128xf32, #tpu.memory_space<vmem>>
    %dma_wait3A_116 = arith.constant 0 : i32
    %dma_wait3A_117 = tpu.memref_slice %arg8[%dma_wait3A_113, %dma_wait3A_116] : memref<4x128xi32, #tpu.memory_space<vmem>> -> memref<1x128xi32, #tpu.memory_space<vmem>>
    %dma_wait3A_118 = tpu.memref_squeeze %dma_wait3A_117 : memref<1x128xi32, #tpu.memory_space<vmem>> -> memref<128xi32, #tpu.memory_space<vmem>>
    %dma_wait3A_119 = arith.constant 0 : i32
    %dma_wait3A_120 = tpu.memref_slice %arg4[%dma_wait3A_119] : memref<1000000xf32, #tpu.memory_space<hbm>> -> memref<1000000xf32, #tpu.memory_space<hbm>>
    tpu.wait_indirect_dma semaphore(%arg14 : memref<!tpu.dma_semaphore, #tpu.memory_space<semaphore_mem>>) src(%dma_wait3A_120 : memref<1000000xf32, #tpu.memory_space<hbm>>) dst(%dma_wait3A_115 : memref<128xf32, #tpu.memory_space<vmem>>)
    %dma_wait3A_121 = arith.constant 3 : i32
    %dma_wait3A_122 = arith.constant 384 : i32
    %dma_wait3A_123 = tpu.memref_slice %arg11[%dma_wait3A_122] : memref<512xf32, #tpu.memory_space<vmem>> -> memref<128xf32, #tpu.memory_space<vmem>>
    %dma_wait3A_124 = arith.constant 0 : i32
    %dma_wait3A_125 = tpu.memref_slice %arg9[%dma_wait3A_121, %dma_wait3A_124] : memref<4x128xi32, #tpu.memory_space<vmem>> -> memref<1x128xi32, #tpu.memory_space<vmem>>
    %dma_wait3A_126 = tpu.memref_squeeze %dma_wait3A_125 : memref<1x128xi32, #tpu.memory_space<vmem>> -> memref<128xi32, #tpu.memory_space<vmem>>
    %dma_wait3A_127 = arith.constant 0 : i32
    %dma_wait3A_128 = tpu.memref_slice %arg5[%dma_wait3A_127] : memref<1000000xf32, #tpu.memory_space<hbm>> -> memref<1000000xf32, #tpu.memory_space<hbm>>
    tpu.wait_indirect_dma semaphore(%arg14 : memref<!tpu.dma_semaphore, #tpu.memory_space<semaphore_mem>>) src(%dma_wait3A_128 : memref<1000000xf32, #tpu.memory_space<hbm>>) dst(%dma_wait3A_123 : memref<128xf32, #tpu.memory_space<vmem>>)
    %get3A = arith.constant 0 : index
    %get3A_129 = tpu.vector_load %arg12[%get3A] {strides = array<i32>} : memref<16xf32, #tpu.memory_space<vmem>>, vector<16xf32>,
    %get3A_130 = vector.shape_cast %get3A_129 : vector<16xf32> to vector<16xf32>
    %scan3A = arith.constant 0 : i32
    %scan3A_131 = arith.constant 0 : i32
    %scan3A_132 = arith.constant 32 : i32
    %scan3A_133 = arith.addi %scan3A_131, %scan3A_132 : i32
    %scan3A_134 = arith.constant 1 : i32
    %scan3A_135 = scf.for %scan3A_137 = %scan3A_131 to %scan3A_133 step %scan3A_134 iter_args(%scan3A_138 = %scan3A) -> (i32)  : i32 {
      %mul3A_139 = arith.constant 16 : i32
      %mul3A_140 = arith.muli %scan3A_137, %mul3A_139 : i32
      %multiple_of3A = tpu.assume_multiple %mul3A_140, 16 : i32
      %get3A_141 = arith.index_cast %multiple_of3A : i32 to index
      %get3A_142 = tpu.vector_load %arg10[%get3A_141] {strides = array<i32>} : memref<512xf32, #tpu.memory_space<vmem>>, vector<16xf32>,
      %get3A_143 = vector.shape_cast %get3A_142 : vector<16xf32> to vector<16xf32>
      %get3A_144 = arith.index_cast %multiple_of3A : i32 to index
      %get3A_145 = tpu.vector_load %arg11[%get3A_144] {strides = array<i32>} : memref<512xf32, #tpu.memory_space<vmem>>, vector<16xf32>,
      %get3A_146 = vector.shape_cast %get3A_145 : vector<16xf32> to vector<16xf32>
      %add3A_147 = arith.addf %get3A_143, %get3A_146 : vector<16xf32>
      %add3A_148 = arith.addf %add3A_147, %get3A_130 : vector<16xf32>
      %swap3A = arith.index_cast %multiple_of3A : i32 to index
      %swap3A_149 = tpu.vector_load %arg13[%swap3A] {strides = array<i32>} : memref<512xf32, #tpu.memory_space<vmem>>, vector<16xf32>,
      %swap3A_150 = vector.shape_cast %swap3A_149 : vector<16xf32> to vector<16xf32>
      %swap3A_151 = vector.shape_cast %add3A_148 : vector<16xf32> to vector<16xf32>
      tpu.vector_store %arg13[%swap3A], %swap3A_151 {strides = array<i32>} : memref<512xf32, #tpu.memory_space<vmem>>, vector<16xf32>,
      %scan3A_152 = arith.constant 0 : i32
      scf.yield %scan3A_152 : i32
    }
    %scan3A_136 = arith.constant 32 : i32
    "tpu.region"() ({
      %run_scoped3A = tpu.sem_alloc : memref<!tpu.dma_semaphore, #tpu.memory_space<semaphore_mem>>
      %dma_start3A_137 = tpu.memref_slice %arg7[%mul3A_2] : memref<16384xf32, #tpu.memory_space<hbm>> -> memref<512xf32, #tpu.memory_space<hbm>>
      %dma_start3A_138 = tpu.memref_slice %arg7[%mul3A_2] : memref<16384xf32, #tpu.memory_space<hbm>> -> memref<512xf32, #tpu.memory_space<hbm>>
      tpu.enqueue_dma source(%arg13 : memref<512xf32, #tpu.memory_space<vmem>>) target(%dma_start3A_138 : memref<512xf32, #tpu.memory_space<hbm>>) target_semaphore(%run_scoped3A : memref<!tpu.dma_semaphore, #tpu.memory_space<semaphore_mem>>)
      %dma_wait3A_139 = tpu.memref_slice %arg7[%mul3A_2] : memref<16384xf32, #tpu.memory_space<hbm>> -> memref<512xf32, #tpu.memory_space<hbm>>
      %dma_wait3A_140 = tpu.memref_slice %arg7[%mul3A_2] : memref<16384xf32, #tpu.memory_space<hbm>> -> memref<512xf32, #tpu.memory_space<hbm>>
      tpu.wait_dma2 semaphore(%run_scoped3A : memref<!tpu.dma_semaphore, #tpu.memory_space<semaphore_mem>>) src(%arg13 : memref<512xf32, #tpu.memory_space<vmem>>) dst(%dma_wait3A_140 : memref<512xf32, #tpu.memory_space<hbm>>)
      tpu.yield
    }) : () -> ()
    return
  }
}

module attributes {stable_mosaic.version = 14 : i64} {
  func.func @_tv_body(%arg0: i32, %arg1: memref<64x20480xf32, #tpu.memory_space<vmem>>, %arg2: memref<64x20480xf32, #tpu.memory_space<vmem>>, %arg3: memref<64x128xf32, #tpu.memory_space<vmem>>, %arg4: memref<64x128xf32, #tpu.memory_space<vmem>>, %arg5: memref<256x1xf32, #tpu.memory_space<vmem>>, %arg6: memref<20480xf32, #tpu.memory_space<vmem>>, %arg7: memref<20480xf32, #tpu.memory_space<vmem>>) attributes {dimension_semantics = [#tpu.dimension_semantics<arbitrary>], iteration_bounds = array<i64: 49>, scalar_prefetch = 0 : i64, scratch_operands = 0 : i64, tpu.core_type = #tpu.core_type<tc>, window_params = [{transform_indices = @transform_0, window_bounds = array<i64: 64, 20480>}, {transform_indices = @transform_1, window_bounds = array<i64: 64, 20480>}, {pipeline_mode = #tpu.pipeline_mode<synchronous>, transform_indices = @transform_2, window_bounds = array<i64: 64, 128>}, {pipeline_mode = #tpu.pipeline_mode<synchronous>, transform_indices = @transform_3, window_bounds = array<i64: 64, 128>}, {pipeline_mode = #tpu.pipeline_mode<synchronous>, transform_indices = @transform_4, window_bounds = array<i64: 256, 1>}, {transform_indices = @transform_5, window_bounds = array<i64: 20480>}, {transform_indices = @transform_6, window_bounds = array<i64: 20480>}]} {
    %get3A = arith.constant 0 : index
    %get3A_0 = arith.constant 0 : index
    %get3A_1 = vector.load %arg5[%get3A, %get3A_0] : memref<256x1xf32, #tpu.memory_space<vmem>>, vector<256x1xf32>
    %get3A_2 = arith.constant 0 : index
    %get3A_3 = arith.constant 0 : index
    %get3A_4 = vector.load %arg3[%get3A_2, %get3A_3] : memref<64x128xf32, #tpu.memory_space<vmem>>, vector<64x128xf32>
    %slice3A = vector.extract_strided_slice %get3A_1 {offsets = [0, 0], sizes = [128, 1], strides = [1, 1]} : vector<256x1xf32> to vector<128x1xf32>
    %squeeze3A = vector.shape_cast %slice3A : vector<128x1xf32> to vector<128xf32>
    %dot_general3A = arith.constant dense<0.000000e+00> : vector<64xf32>
    %dot_general3A_5 = tpu.matmul %get3A_4, %squeeze3A, %dot_general3A {dimension_numbers = #tpu.dot_dimension_numbers<[1], [0], [0], [], [0, 0], [], []>, transpose_lhs_hint = false} : vector<64x128xf32>, vector<128xf32>, vector<64xf32> -> vector<64xf32>
    %get3A_6 = arith.constant 0 : index
    %get3A_7 = arith.constant 0 : index
    %get3A_8 = vector.load %arg4[%get3A_6, %get3A_7] : memref<64x128xf32, #tpu.memory_space<vmem>>, vector<64x128xf32>
    %slice3A_9 = vector.extract_strided_slice %get3A_1 {offsets = [128, 0], sizes = [128, 1], strides = [1, 1]} : vector<256x1xf32> to vector<128x1xf32>
    %squeeze3A_10 = vector.shape_cast %slice3A_9 : vector<128x1xf32> to vector<128xf32>
    %dot_general3A_11 = arith.constant dense<0.000000e+00> : vector<64xf32>
    %dot_general3A_12 = tpu.matmul %get3A_8, %squeeze3A_10, %dot_general3A_11 {dimension_numbers = #tpu.dot_dimension_numbers<[1], [0], [0], [], [0, 0], [], []>, transpose_lhs_hint = false} : vector<64x128xf32>, vector<128xf32>, vector<64xf32> -> vector<64xf32>
    %get3A_13 = arith.constant 0 : index
    %get3A_14 = arith.constant 0 : index
    %get3A_15 = vector.load %arg1[%get3A_13, %get3A_14] : memref<64x20480xf32, #tpu.memory_space<vmem>>, vector<64x20480xf32>
    %dot_general3A_16 = arith.constant dense<0.000000e+00> : vector<20480xf32>
    %dot_general3A_17 = tpu.matmul %dot_general3A_5, %get3A_15, %dot_general3A_16 {dimension_numbers = #tpu.dot_dimension_numbers<[0], [0], [], [1], [1, 1], [], []>, transpose_lhs_hint = false} : vector<64xf32>, vector<64x20480xf32>, vector<20480xf32> -> vector<20480xf32>
    %swap3A = arith.constant 0 : index
    %swap3A_18 = vector.load %arg6[%swap3A] : memref<20480xf32, #tpu.memory_space<vmem>>, vector<20480xf32>
    tpu.vector_store %arg6[%swap3A], %dot_general3A_17 {strides = array<i32>} : memref<20480xf32, #tpu.memory_space<vmem>>, vector<20480xf32>,
    %get3A_19 = arith.constant 0 : index
    %get3A_20 = arith.constant 0 : index
    %get3A_21 = vector.load %arg2[%get3A_19, %get3A_20] : memref<64x20480xf32, #tpu.memory_space<vmem>>, vector<64x20480xf32>
    %dot_general3A_22 = arith.constant dense<0.000000e+00> : vector<20480xf32>
    %dot_general3A_23 = tpu.matmul %dot_general3A_12, %get3A_21, %dot_general3A_22 {dimension_numbers = #tpu.dot_dimension_numbers<[0], [0], [], [1], [1, 1], [], []>, transpose_lhs_hint = false} : vector<64xf32>, vector<64x20480xf32>, vector<20480xf32> -> vector<20480xf32>
    %swap3A_24 = arith.constant 0 : index
    %swap3A_25 = vector.load %arg7[%swap3A_24] : memref<20480xf32, #tpu.memory_space<vmem>>, vector<20480xf32>
    tpu.vector_store %arg7[%swap3A_24], %dot_general3A_23 {strides = array<i32>} : memref<20480xf32, #tpu.memory_space<vmem>>, vector<20480xf32>,
    return
  }
  func.func @transform_0(%arg0: i32) -> (i32, i32) {
    %c0_i32 = arith.constant 0 : i32
    %c0_i32_0 = arith.constant 0 : i32
    return %c0_i32, %arg0 : i32, i32
  }
  func.func @transform_1(%arg0: i32) -> (i32, i32) {
    %c0_i32 = arith.constant 0 : i32
    %c0_i32_0 = arith.constant 0 : i32
    return %c0_i32, %arg0 : i32, i32
  }
  func.func @transform_2(%arg0: i32) -> (i32, i32) {
    %c0_i32 = arith.constant 0 : i32
    %c0_i32_0 = arith.constant 0 : i32
    %c0_i32_1 = arith.constant 0 : i32
    return %c0_i32, %c0_i32_0 : i32, i32
  }
  func.func @transform_3(%arg0: i32) -> (i32, i32) {
    %c0_i32 = arith.constant 0 : i32
    %c0_i32_0 = arith.constant 0 : i32
    %c0_i32_1 = arith.constant 0 : i32
    return %c0_i32, %c0_i32_0 : i32, i32
  }
  func.func @transform_4(%arg0: i32) -> (i32, i32) {
    %c0_i32 = arith.constant 0 : i32
    %c0_i32_0 = arith.constant 0 : i32
    %c0_i32_1 = arith.constant 0 : i32
    return %c0_i32, %c0_i32_0 : i32, i32
  }
  func.func @transform_5(%arg0: i32) -> i32 {
    %c0_i32 = arith.constant 0 : i32
    return %arg0 : i32
  }
  func.func @transform_6(%arg0: i32) -> i32 {
    %c0_i32 = arith.constant 0 : i32
    return %arg0 : i32
  }
}

</mosaic_0001>

<sc_bundles>
// kernel: kernel.4.cloned.1.call-start
scs
__scs_entry_jumppad:
0x0: {  	(pc) =	sbr.rel $0x88, $3  }
0x1: {  	(tag) =	ssettag $0x0;
	lr =	simm.s32 $0x1  }
0x2: {  	[smem:$0x3F99] =	sst lr;
	_ =	strace $0xD0000000  }
0x3: {  	_ = 	snop  }
0x4: {  	_ = 	snop  }
0x5: {  	_ = 	snop  }
0x6: {  	_ = 	snop  }
0x7: {  	_ = 	snop  }
__scs_overlays_trampoline_lowered:
0x8: {  	[smem:$0x3FA8] =	sst s0  }
0x9: {  	[smem:$0x3FA9] =	sst s1  }
0xa: {  	[smem:$0x3FAA] =	sst s2  }
0xb: {  	[smem:$0x3FAB] =	sst s3  }
0xc: {  	[smem:$0x3FAC] =	sst s4  }
0xd: {  	[smem:$0x3FAD] =	sst s5  }
0xe: {  	[smem:$0x3FAE] =	sst s6  }
0xf: {  	[smem:$0x3FAF] =	sst s7  }
0x10: {  	[smem:$0x3FB0] =	sst s8  }
0x11: {  	[smem:$0x3FB1] =	sst s9;
	s0 =	simm.s32 @!p0 $0x0  }
0x12: {  	s1 =	sld [smem:$0x3F97];
	s0 =	simm.s32 @p0 $0x1  }
0x13: {  	[smem:$0x3FB2] =	sst s0;
	s0 =	simm.s32 @!p1 $0x0  }
0x14: {  	s2 =	sld [smem:$0x3F96];
	s0 =	simm.s32 @p1 $0x1  }
0x15: {  	[smem:$0x3FB3] =	sst s0;
	s0 =	simm.s32 @!p2 $0x0  }
0x16: {  	s3 =	sld [smem:$0x3FDB];
	s0 =	simm.s32 @p2 $0x1  }
0x17: {  	s4 =	simm.s32 $0x1BF5;
	[smem:$0x3FB5] =	sst s0  }
0x18: {  	s0 =	sld [smem:$0x3F98];
	_ =	swait.ge [sflag:s4], $0x0  }
0x19: {  	s7 =	sld [smem:$0x3F99]  }
0x1a: {  	s8 =	sadd.s32 $0xFFFFE003, lr  }
0x1b: {  	s9 =	sadd.s32 $0xFFFFFEF7, lr;
	s5 =	simm.s32 $0xFFFFFFFF;
	p2 =	slt.u32 s8, $0xFFFFF086  }
0x1c: {  	p1 =	slt.u32 s9, $0xF7A;
	s5 =	simm.s32 @!p2 $0x0  }
0x1d: {  	s5 =	simm.s32 @p1 $0x1;
	p0 =	seq.s32 s7, s2  }
0x1e: {  	s7 =	smul.u32 @!p0 $0xF7A, s2;
	p2 =	seq.s32 @!p0 s5, $0x0  }
0x1f: {  	s9 =	smul.u32 $0xF7A, s1;
	s8 =	simm.s32 @!p0 $0x1BF5;
	p2 =	por !p2, p0  }
0x20: {  	[sflag:s8] =	ssyncset.s32 @!p0 $0xFFFFF086;
	s6 =	sadd.s32 @!p0 s3, s7;
	s7 =	simm.s32 @!p0 $0x108  }
0x21: {  	s3 =	sadd.s32 s3, s9;
	s6 =	sadd.s32 @!p0 $0x88, s6;
	s7 =	simm.s32 @p2 $0x1082  }
0x22: {  	[simem:s7], [sflag:s8] =	dma.local @!p0 [hbm:s6], $0xF7A  }
0x23: {  	s9 =	sor.u32 $0xD0000000, s2;
	s6 =	simm.s32 $0x108;
	_ =	swait.ge @!p0 [sflag:s8], $0x0  }
0x24: {  	s3 =	sadd.s32 $0x88, s3;
	s6 =	simm.s32 @!p1 $0x1082;
	[sflag:s4] =	ssyncset.s32 $0xFFFFF086  }
0x25: {  	[simem:s6], [sflag:s4] =	dma.local [hbm:s3], $0xF7A  }
0x26: {  	[smem:$0x3F99] =	sst s1;
	(tag) =	ssettag s2;
	_ =	strace s9  }
0x27: {  	s1 =	sld [smem:$0x3FA9]  }
0x28: {  	s2 =	sld [smem:$0x3FAA]  }
0x29: {  	s4 =	sld [smem:$0x3FAC]  }
0x2a: {  	p0 =	seq.s32 s5, $0x0;
	s5 =	sld [smem:$0x3FAD]  }
0x2b: {  	s6 =	sld [smem:$0x3FAE]  }
0x2c: {  	s7 =	sld [smem:$0x3FAF]  }
0x2d: {  	s3 =	simm.s32 $0x108;
	s8 =	sld [smem:$0x3FB0]  }
0x2e: {  	s3 =	simm.s32 @!p0 $0x1082;
	s9 =	sld [smem:$0x3FB1]  }
0x2f: {  	lr =	sadd.s32 s0, s3;
	s0 =	sld [smem:$0x3FA8]  }
0x30: {  	s3 =	sld [smem:$0x3FAB]  }
0x31: {  	[smem:$0x3FB4] =	sst s10  }
0x32: {  	s10 =	sld [smem:$0x3FB2];
	_ =	sdelay $0x3  }
0x33: {  	p0 =	seq.s32 s10, $0x1;
	s10 =	sld [smem:$0x3FB4];
	_ =	sdelay $0x3  }
0x34: {  	[smem:$0x3FB4] =	sst s10  }
0x35: {  	s10 =	sld [smem:$0x3FB3];
	_ =	sdelay $0x3  }
0x36: {  	p1 =	seq.s32 s10, $0x1;
	s10 =	sld [smem:$0x3FB4];
	_ =	sdelay $0x3  }
0x37: {  	[smem:$0x3FB4] =	sst s10  }
0x38: {  	s10 =	sld [smem:$0x3FB5]  }
0x39: {  	_ = 	snop;
	(pc) =	sbr.ind lr, $3  }
0x3a: {  	_ = 	snop  }
0x3b: {  	_ = 	snop  }
0x3c: {  	p2 =	seq.s32 s10, $0x1;
	s10 =	sld [smem:$0x3FB4]  }
0x3d: {  	_ =	shalt  }
0x3e: {  	_ =	shalt  }
0x3f: {  	_ =	shalt  }
0x40: {  	_ =	shalt  }
0x41: {  	_ =	shalt  }
0x42: {  	_ =	shalt  }
0x43: {  	_ =	shalt  }
0x44: {  	_ =	shalt  }
0x45: {  	_ =	shalt  }
0x46: {  	_ =	shalt  }
0x47: {  	_ =	shalt  }
0x48: {  	_ =	shalt  }
0x49: {  	_ =	shalt  }
0x4a: {  	_ =	shalt  }
0x4b: {  	_ =	shalt  }
0x4c: {  	_ =	shalt  }
0x4d: {  	_ =	shalt  }
0x4e: {  	_ =	shalt  }
0x4f: {  	_ =	shalt  }
0x50: {  	_ =	shalt  }
0x51: {  	_ =	shalt  }
0x52: {  	_ =	shalt  }
0x53: {  	_ =	shalt  }
0x54: {  	_ =	shalt  }
0x55: {  	_ =	shalt  }
0x56: {  	_ =	shalt  }
0x57: {  	_ =	shalt  }
0x58: {  	_ =	shalt  }
0x59: {  	_ =	shalt  }
0x5a: {  	_ =	shalt  }
0x5b: {  	_ =	shalt  }
0x5c: {  	_ =	shalt  }
0x5d: {  	_ =	shalt  }
0x5e: {  	_ =	shalt  }
0x5f: {  	_ =	shalt  }
0x60: {  	_ =	shalt  }
0x61: {  	_ =	shalt  }
0x62: {  	_ =	shalt  }
0x63: {  	_ =	shalt  }
0x64: {  	_ =	shalt  }
0x65: {  	_ =	shalt  }
0x66: {  	_ =	shalt  }
0x67: {  	_ =	shalt  }
0x68: {  	_ =	shalt  }
0x69: {  	_ =	shalt  }
0x6a: {  	_ =	shalt  }
0x6b: {  	_ =	shalt  }
0x6c: {  	_ =	shalt  }
0x6d: {  	_ =	shalt  }
0x6e: {  	_ =	shalt  }
0x6f: {  	_ =	shalt  }
0x70: {  	_ =	shalt  }
0x71: {  	_ =	shalt  }
0x72: {  	_ =	shalt  }
0x73: {  	_ =	shalt  }
0x74: {  	_ =	shalt  }
0x75: {  	_ =	shalt  }
0x76: {  	_ =	shalt  }
0x77: {  	_ =	shalt  }
0x78: {  	_ =	shalt  }
0x79: {  	_ =	shalt  }
0x7a: {  	_ =	shalt  }
0x7b: {  	_ =	shalt  }
0x7c: {  	_ =	shalt  }
0x7d: {  	_ =	shalt  }
0x7e: {  	_ =	shalt  }
0x7f: {  	_ =	shalt  }
0x80: {  	_ =	shalt  }
0x81: {  	_ =	shalt  }
0x82: {  	_ =	shalt  }
0x83: {  	_ =	shalt  }
0x84: {  	_ =	shalt  }
0x85: {  	_ =	shalt  }
0x86: {  	_ =	shalt  }
0x87: {  	_ =	shalt  }
.Lfunc_end0:
.L_simem_size_0:
called_computation_lowered:
.L_overlay_start_0:
0x88: {  	s2 =	sld [smem:$0x3FD9]  }
0x89: {  	s3 =	sld [smem:$0x3FFE];
	_ =	sdelay $0x1  }
0x8a: {  	s1 =	srdreg.scid  }
0x8b: {  	s0 =	sand.u32 $0x1, s1  }
0x8c: {  	s17 =	sshll.u32 s0, $0xA;
	s2 =	sadd.s32 s3, s2  }
0x8d: {  	s2 =	sadd.s32 s2, s17  }
0x8e: {  	[smem:$0x3FC0] =	sst s2  }
0x8f: {  	_ = 	snop  }
0x90: {  	s2 =	sld [smem:$0x3FC9]  }
0x91: {  	s18 =	sld [smem:$0x3FC8]  }
0x92: {  	s4 =	sld [smem:$0x3FD0];
	(tm) =	ssettm $0x1  }
0x93: {  	s5 =	sld [smem:$0x3FFB];
	_ =	sdelay $0x3  }
0x94: {  	_ =	strace s5  }
0x95: {  	s5 =	sld [smem:$0x3FFC];
	_ =	sdelay $0x3  }
0x96: {  	_ =	strace s5  }
0x97: {  	s5 =	sld [smem:$0x3FFD];
	_ =	sdelay $0x3  }
0x98: {  	_ =	strace s5  }
0x99: {  	_ =	strace $0x8FFFFFFF  }
0x9a: {  	s19 =	sld [smem:$0x3FDB];
	_ =	sdelay $0x1  }
0x9b: {  	s6 =	simm.s32 $_scs_section_size  }
0x9c: {  	s7 =	simm.s32 $_size__tile_overlayer_lowered;
	s8 =	simm.s32 $_tile_overlayer_lowered  }
0x9d: {  	s22 =	simm.s32 $0x1BFF;
	s21 =	sshll.u32 s8, $0x1;
	s5 =	sadd.s32 s6, s19  }
0x9e: {  	s9 =	simm.s32 $0x0;
	s20 =	sshll.u32 s7, $0x1;
	s7 =	sadd.s32 s21, s5  }
0x9f: {  	[timem:s9], [sflag:s22] =	dma.local [hbm:s7], s20  }
0xa0: {  	_ =	swait.ge [sflag:s22], s20  }
0xa1: {  	s6 =	ssub.s32 $0x0, s20;
	[sflag:s22] =	ssyncset.done $0x0  }
0xa2: {  	[sflag:s22] =	ssyncadd.s32 s6;
	_ =	sdelay $0x1  }
0xa3: {  	s23 =	simm.s32 $0x1B8B  }
0xa4: {  	_ =	swait.ge [sflag:s23], $0x1  }
0xa5: {  	[sflag:s23] =	ssyncset.done $0x0  }
0xa6: {  	s25 =	simm.s32 $0x1B8E;
	s24 =	sld [smem:$0x3FFE];
	[sflag:s23] =	ssyncadd.s32 $0xFFFFFFFF  }
0xa7: {  	s26 =	simm.s32 $execute0_lowered;
	[smem:$0x3FD2] =	sst s25  }
0xa8: {  	s7 =	sshll.u32 s26, $0x1;
	_ =	strace $0x80000046;
	[dreg:$0x1] =	wrdreg $0xFFFFFFFF  }
0xa9: {  	s28 =	simm.s32 $_size_execute0_lowered;
	s5 =	sadd.s32 s5, s7;
	[dreg:$0x0] =	wrdreg $0x0  }
0xaa: {  	s7 =	sshll.u32 s28, $0x1;
	[dreg:$0x2] =	wrdreg s5  }
0xab: {  	[dreg:$0x3] =	wrdreg s7  }
0xac: {  	[dreg:$0x4] =	wrdreg $0xC0  }
0xad: {  	_ =	task [dreg:s9], $0x5FFFF  }
0xae: {  	[dreg:$0x1] =	wrdreg $0xFFFFFFFF  }
0xaf: {  	[dreg:$0x0] =	wrdreg $0x60  }
0xb0: {  	[dreg:$0x2] =	wrdreg s2  }
0xb1: {  	[dreg:$0x3] =	wrdreg s18  }
0xb2: {  	[dreg:$0x4] =	wrdreg s24  }
0xb3: {  	[dreg:$0x5] =	wrdreg s4  }
0xb4: {  	[dreg:$0x6] =	wrdreg $0x9  }
0xb5: {  	_ =	task.clear_ibuf [dreg:s9], $0x7FFFF;
	_ =	strace $0x90000046  }
0xb6: {  	s29 =	simm.s32 $0x9;
	_ =	strace $0x80000048  }
0xb7: {  	_ =	swait.ge [sflag:s29], $0x1  }
0xb8: {  	[sflag:s29] =	ssyncadd.s32 $0xFFFFFFFF  }
0xb9: {  	_ =	strace $0x90000048  }
0xba: {  	_ =	sfence  }
0xbb: {  	s30 =	sld [smem:$0x0];
	_ =	sdelay $0x2  }
0xbc: {  	s31 =	sshll.u32 s1, $0xD;
	s1 =	sshrl.u32 s1, $0x2  }
0xbd: {  	s3 =	sand.u32 $0x4000, s31;
	s1 =	sadd.s32 s1, s30  }
0xbe: {  	s0 =	sor.u32 s3, s0;
	s1 =	sshll.u32 s1, $0x11  }
0xbf: {  	s0 =	sor.u32 s1, s0  }
0xc0: {  	s0 =	sadd.s32 $0x8F2B, s0  }
0xc1: {  	[sflag:s0] =	ssyncadd.remote.s32 $0x1  }
0xc2: {  	_ =	sfence.sel $0xFFFF  }
0xc3: {  	[dreg:$0x0] =	wrdreg $0xFFFFFFFF;
	(pc) =	sbr.abs _section_cstart, $3  }
0xc4: {  	[dreg:$0x1] =	wrdreg $0xFFFFFFFF  }
0xc5: {  	_ =	task.clear_ibuf [dreg:s9], $0x2FFFF;
	_ =	strace $0x9FFFFFFF  }
0xc6: {  	(tm) =	ssettm $0x7FFFFFFF  }
0xc7: {  	_ =	shalt  }
tec
execute0_lowered:
.L_overlay_start_1:
0x0: {  	(tag) =	ssettag $0x1  }
0x1: {  	s0 =	rddreg [dreg:$0x0]  }
0x2: {  	s7 =	rddreg [dreg:$0x1]  }
0x3: {  	s5 =	rddreg [dreg:$0x2]  }
0x4: {  	s8 =	rddreg [dreg:$0x3]  }
0x5: {  	s1 =	simm.s32 $0x0;
	s2 =	srdreg.scid;
	s26 =	stileid.u32  }
0x6: {  	s12 =	simm.s32 $0x800;
	s13 =	simm.s32 $0x80;
	s14 =	simm.s32 $0x400  }
0x7: {  	s15 =	simm.s32 $0x600;
	s16 =	simm.s32 $0x480;
	s17 =	simm.s32 $0x280  }
0x8: {  	s18 =	simm.s32 $0x680;
	s19 =	simm.s32 $0x100;
	s20 =	simm.s32 $0x500  }
0x9: {  	s21 =	simm.s32 $0x300;
	s22 =	simm.s32 $0x700;
	s23 =	simm.s32 $0x180  }
0xa: {  	s24 =	simm.s32 $0x580;
	s25 =	simm.s32 $0x380;
	s28 =	simm.s32 $0x1  }
0xb: {  	s29 =	simm.s32 $0x810;
	s30 =	simm.s32 $0x0;
	[smem:$0x7FF] =	sst s1  }
0xc: {  	s3 =	sadd.s32 $0xE00, s5;
	s6 =	sand.u32 $0x1, s2;
	s4 =	sadd.s32 $0x1F800, s5  }
0xd: {  	s11 =	sshll.u32 s26, $0x7;
	s5 =	sadd.s32 $0x3E200, s5;
	s26 =	simm.s32 $0x780  }
0xe: {  	_ =	strace $0x80000047;
	s9 =	ssub.s32 $0x2, s6;
	s6 =	sshll.u32 s6, $0x6  }
0xf: {  	s10 =	sshrl.u32 s9, $0x1;
	s31 =	sor.u32 s6, s11;
	s11 =	simm.s32 $0x200  }
0x10: {  	s9 =	ssub.s32 s9, s10;
	s6 =	sadd.s32 s0, s31;
	s7 =	sadd.s32 s7, s31  }
0x11: {  	s8 =	sadd.s32 s8, s31;
	s10 =	simm.s32 $0x2;
	s9 =	smax.u32 s9, $0x1  }
.LBB2_1:
0x12: {  	[tilespmem:s1], [sflag:$0x2] =	stream.linear.gather [hbm4b:s6+s1], $0x200, $0x38;
	[tilespmem:$0xA10] =	vst v63  }
0x13: {  	_ =	swait.ge [sflag:s10], $0x200  }
0x14: {  	[sflag:s10] =	ssyncset.done $0x0  }
0x15: {  	[sflag:s10] =	ssyncadd.s32 $0xFFFFFE00  }
0x16: {  	[tilespmem:s11], [sflag:$0x2] =	stream.linear.gather [hbm4b:s7+s1], $0x200, $0x38;
	[tilespmem:$0xA10] =	vst v63  }
0x17: {  	_ =	swait.ge [sflag:s10], $0x200  }
0x18: {  	[sflag:s10] =	ssyncset.done $0x0  }
0x19: {  	[sflag:s10] =	ssyncadd.s32 $0xFFFFFE00  }
0x1a: {  	[tilespmem:s12], [sflag:$0x2] =	stream.linear.gather [hbm4b:s5+s1], $0x10, $0x38;
	[tilespmem:$0xA10] =	vst v63  }
0x1b: {  	_ =	swait.ge [sflag:s10], $0x10  }
0x1c: {  	[sflag:s10] =	ssyncset.done $0x0  }
0x1d: {  	[sflag:s10] =	ssyncadd.s32 $0xFFFFFFF0  }
0x1e: {  	[tilespmem:s14], [sflag:$0x1] =	stream.indirect.gather [hbm4b:s3+s13], $0x1, s1, s13, $0xb8;
	[tilespmem:$0xA10] =	vst v63  }
0x1f: {  	_ = 	snop  }
0x20: {  	[tilespmem:s15], [sflag:$0x1] =	stream.indirect.gather [hbm4b:s4+s13], $0x1, s11, s13, $0xb8;
	[tilespmem:$0xA10] =	vst v63  }
0x21: {  	_ = 	snop  }
0x22: {  	[tilespmem:s16], [sflag:$0x1] =	stream.indirect.gather [hbm4b:s3+s13], $0x1, s13, s13, $0xb8;
	[tilespmem:$0xA10] =	vst v63  }
0x23: {  	_ = 	snop  }
0x24: {  	[tilespmem:s18], [sflag:$0x1] =	stream.indirect.gather [hbm4b:s4+s13], $0x1, s17, s13, $0xb8;
	[tilespmem:$0xA10] =	vst v63  }
0x25: {  	_ = 	snop  }
0x26: {  	[tilespmem:s20], [sflag:$0x1] =	stream.indirect.gather [hbm4b:s3+s13], $0x1, s19, s13, $0xb8;
	[tilespmem:$0xA10] =	vst v63  }
0x27: {  	_ = 	snop  }
0x28: {  	[tilespmem:s22], [sflag:$0x1] =	stream.indirect.gather [hbm4b:s4+s13], $0x1, s21, s13, $0xb8;
	[tilespmem:$0xA10] =	vst v63  }
0x29: {  	_ = 	snop  }
0x2a: {  	[tilespmem:s24], [sflag:$0x1] =	stream.indirect.gather [hbm4b:s3+s13], $0x1, s23, s13, $0xb8;
	[tilespmem:$0xA10] =	vst v63  }
0x2b: {  	_ = 	snop  }
0x2c: {  	[tilespmem:s26], [sflag:$0x1] =	stream.indirect.gather [hbm4b:s4+s13], $0x1, s25, s13, $0xb8;
	[tilespmem:$0xA10] =	vst v63  }
0x2d: {  	_ =	swait.ge [sflag:s28], $0x80  }
0x2e: {  	[sflag:s28] =	ssyncset.done $0x0  }
0x2f: {  	[sflag:s28] =	ssyncadd.s32 $0xFFFFFF80  }
0x30: {  	_ =	swait.ge [sflag:s28], $0x80  }
0x31: {  	[sflag:s28] =	ssyncset.done $0x0  }
0x32: {  	[sflag:s28] =	ssyncadd.s32 $0xFFFFFF80  }
0x33: {  	_ =	swait.ge [sflag:s28], $0x80  }
0x34: {  	[sflag:s28] =	ssyncset.done $0x0  }
0x35: {  	[sflag:s28] =	ssyncadd.s32 $0xFFFFFF80  }
0x36: {  	_ =	swait.ge [sflag:s28], $0x80  }
0x37: {  	[sflag:s28] =	ssyncset.done $0x0  }
0x38: {  	[sflag:s28] =	ssyncadd.s32 $0xFFFFFF80  }
0x39: {  	_ =	swait.ge [sflag:s28], $0x80  }
0x3a: {  	[sflag:s28] =	ssyncset.done $0x0  }
0x3b: {  	[sflag:s28] =	ssyncadd.s32 $0xFFFFFF80  }
0x3c: {  	_ =	swait.ge [sflag:s28], $0x80  }
0x3d: {  	[sflag:s28] =	ssyncset.done $0x0  }
0x3e: {  	[sflag:s28] =	ssyncadd.s32 $0xFFFFFF80  }
0x3f: {  	_ =	swait.ge [sflag:s28], $0x80  }
0x40: {  	[sflag:s28] =	ssyncset.done $0x0  }
0x41: {  	[sflag:s28] =	ssyncadd.s32 $0xFFFFFF80  }
0x42: {  	_ =	swait.ge [sflag:s28], $0x80  }
0x43: {  	[sflag:s28] =	ssyncset.done $0x0  }
0x44: {  	s31 =	simm.s32 $0x0;
	[sflag:s28] =	ssyncadd.s32 $0xFFFFFF80  }
0x45: {  	v1 =	vld [tilespmem:s31+$0x400]  }
0x46: {  	v2 =	vld [tilespmem:s31+$0x600];
	_ =	sdelay $0x1  }
0x47: {  	v0 =	vld [tilespmem:$0x800]  }
0x48: {  	s0 =	simm.s32 $0x40  }
.LBB2_2:
0x49: {  	s2 =	sshra.s32 s0, $0x2;
	p0 =	sne.s32 s0, $0x7C0  }
.Ltmp0:
0x4a: {  	s0 =	sadd.s32 $0x40, s0;
	v3 =	vadd.f32 v2, v1;
	v1 =	vld [tilespmem:s2+$0x400];
	(pc) =	sbr.rel @p0 .LBB2_2-.Ltmp0, $3  }
0x4b: {  	v2 =	vld [tilespmem:s2+$0x600]  }
0x4c: {  	v3 =	vadd.f32 v3, v0;
	_ =	sdelay $0x1  }
0x4d: {  	[tilespmem:s31+$0x810] =	vst v3;
	s31 =	smov.u32 s2  }
0x4e: {  	_ = 	snop  }
0x4f: {  	v1 =	vadd.f32 v2, v1;
	_ =	sdelay $0x1  }
0x50: {  	s30 =	sadd.s32 $0x1, s30;
	v0 =	vadd.f32 v1, v0  }
0x51: {  	p0 =	sne.s32 s30, s9  }
.Ltmp1:
0x52: {  	[tilespmem:s31+$0x810] =	vst v0;
	(pc) =	sbr.rel @p0 .LBB2_1-.Ltmp1, $4  }
0x53: {  	[hbm4b:s8+s1] =	stream.linear.scatter [tilespmem:s29], [sflag:$0x2], $0x200, $0x38;
	[tilespmem:$0xA10] =	vst v63  }
0x54: {  	_ =	swait.ge [sflag:s10], $0x200  }
0x55: {  	[sflag:s10] =	ssyncset.done $0x0  }
0x56: {  	[sflag:s10] =	ssyncadd.s32 $0xFFFFFE00  }
0x57: {  	_ =	sfence.sel $0x180000  }
0x58: {  	[bflag:$0x0] =	sbarrier.arrive $0xFFFF  }
0x59: {  	_ =	strace $0x90000047  }
0x5a: {  	s0 =	stileid.u32;
	[bflag:$0x2] =	sbarrier.arrive $0xFFFF  }
0x5b: {  	p0 =	sne.s32 s0, $0x0;
	s0 =	rddreg [dreg:$0x4]  }
0x5c: {  	s0 =	sadd.s32 @!p0 $0x100000, s0  }
0x5d: {  	[sflag:s0] =	ssyncadd.tile.s32 @!p0 $0x1;
	_ =	shalt  }
.Lfunc_end2:
_tile_overlayer_lowered:
.L_overlay_start_2:
0x5e: {  	(tag) =	ssettag $0x2  }
0x5f: {  	s0 =	rddreg [dreg:$0x0];
	s2 =	stileid.u32  }
0x60: {  	s1 =	rddreg [dreg:$0x1];
	p0 =	sne.s32 s2, $0x0  }
0x61: {  	s3 =	rddreg [dreg:$0x2];
	[bflag:$0x3] =	sbarrier.arrive $0xFFFF;
	s2 =	simm.s32 @!p0 $0x1C02  }
0x62: {  	[timem:s3], [sflag:s2] =	dma.local @!p0 [hbm:s0], s1  }
0x63: {  	s0 =	simm.s32 @!p0 $0x2  }
0x64: {  	_ =	swait.ge @!p0 [sflag:s0], s1  }
0x65: {  	s1 =	ssub.s32 @!p0 $0x0, s1;
	[sflag:s0] =	ssyncset.done @!p0 $0x0  }
0x66: {  	[sflag:s0] =	ssyncadd.s32 @!p0 s1  }
0x67: {  	[bflag:$0x3] =	sbarrier.arrive $0xFFFF  }
0x68: {  	_ =	shalt  }

</sc_bundles>
